<compile_context>
chip_gen: v7x
topology: tpu7x:2x2x1
jax: 0.10.2.dev20260603
libtpu: 0.0.44.dev20260713+nightly
codegen_flags: <defaults>
</compile_context>

<pallas_src>
import jax
import jax.numpy as jnp
from jax.experimental import pallas as pl

N_UP = 16
N_DOWN = 16
N_ELEC = 32
N_ATOMS = 16
N_NBR = N_ELEC + N_ATOMS
BASIS = 4
KER = 8
EMBED = 16
LAYERS = 2
BATCH = 4096
LE = N_ELEC * KER
LN = N_ATOMS * KER

B_BLK = 128


def _jastrow_kernel(xs_ref, wcat_ref, bcat_ref, m0h_ref, mask_ref, diag_ref,
                    wht_ref, bht_ref, sele_ref, seln_ref, wg_ref, bg_ref,
                    wo_ref, x0_ref, bo_ref, out_ref):
    B = B_BLK
    R = B * N_ELEC
    bf16 = jnp.bfloat16
    f32 = jnp.float32
    X = xs_ref[...].astype(bf16)

    P = jnp.tanh(
        jax.lax.dot(X, wcat_ref[...], preferred_element_type=f32)
        + bcat_ref[...])
    P0e = P[:, :LE]
    P0n = P[:, LE:LE + LN]
    P1e = P[:, LE + LN:2 * LE + LN]
    P1n = P[:, 2 * LE + LN:]

    sele = sele_ref[...]
    seln = seln_ref[...]

    M0 = (P0e.reshape(B, N_ELEC, LE) * m0h_ref[...][None]).reshape(R, LE)
    z0 = (jax.lax.dot(M0.astype(bf16), sele, preferred_element_type=f32)
          + jax.lax.dot(P0n.astype(bf16), seln, preferred_element_type=f32))
    g0 = jnp.tanh(
        jax.lax.dot(z0.astype(bf16), wg_ref[0], preferred_element_type=f32)
        + bg_ref[0][None, :])
    x1 = jnp.broadcast_to(x0_ref[...][None], (B, N_ELEC, EMBED)).reshape(
        R, EMBED) + g0

    ph = (jax.lax.dot(x1.astype(bf16), wht_ref[...], preferred_element_type=f32)
          + bht_ref[...])
    hb = jnp.tanh((ph.reshape(B, N_ELEC, LE) * diag_ref[...][None]).sum(axis=1))
    M1 = (P1e.reshape(B, N_ELEC, LE) * mask_ref[...][None]
          * hb[:, None, :]).reshape(R, LE)
    z1 = (jax.lax.dot(M1.astype(bf16), sele, preferred_element_type=f32)
          + jax.lax.dot(P1n.astype(bf16), seln, preferred_element_type=f32))
    x2 = x1 + jnp.tanh(
        jax.lax.dot(z1.astype(bf16), wg_ref[1], preferred_element_type=f32)
        + bg_ref[1][None, :])

    t = (x2 * wo_ref[...]).sum(axis=1, keepdims=True)
    out_ref[...] = (t.reshape(B, N_ELEC, 1).sum(axis=1)
                    + jnp.float32(N_ELEC) * bo_ref[0, 0])


@jax.jit
def kernel(xs, elec_embed, nuc_embed, Ww_e, bw_e, Ww_n, bw_n, Wh, bh, Wg, bg,
           Wo, bo):
    f32 = jnp.float32
    bf16 = jnp.bfloat16

    scale = jnp.where(jnp.isfinite(bo[0]), f32(1.0), f32(0.0))
    xs_flat = xs.reshape(BATCH * N_ELEC, N_NBR * BASIS) * scale

    eye48 = jnp.eye(N_NBR, dtype=f32)
    w_sel = jnp.concatenate(
        [jnp.broadcast_to(Ww_e[:, None], (LAYERS, N_ELEC, BASIS, KER)),
         jnp.broadcast_to(Ww_n[:, None], (LAYERS, N_ATOMS, BASIS, KER))],
        axis=1)
    w_big = jnp.einsum('jJ,ljfk->ljfJk', eye48, w_sel).reshape(
        LAYERS, N_NBR * BASIS, N_NBR * KER)
    w_cat = jnp.concatenate([w_big[0], w_big[1]], axis=1).astype(bf16)
    b_big = jnp.concatenate(
        [jnp.broadcast_to(bw_e[:, None], (LAYERS, N_ELEC, KER)),
         jnp.broadcast_to(bw_n[:, None], (LAYERS, N_ATOMS, KER))],
        axis=1).reshape(LAYERS, N_NBR * KER)
    b_cat = jnp.concatenate([b_big[0], b_big[1]]).reshape(1, 2 * N_NBR * KER)

    eye_jk = jnp.repeat(jnp.eye(N_ELEC, dtype=f32), KER, axis=1)
    mask = 1.0 - eye_jk
    diag = eye_jk

    x0 = jnp.concatenate([
        jnp.broadcast_to(elec_embed[0][None], (N_UP, EMBED)),
        jnp.broadcast_to(elec_embed[1][None], (N_DOWN, EMBED)),
    ], axis=0)
    h0 = jnp.tanh(x0 @ Wh[0] + bh[0][None, :]).reshape(1, LE)
    m0h = mask * h0

    sel_e = jnp.tile(jnp.eye(KER, dtype=f32), (N_ELEC, 1)).astype(bf16)
    sel_n = (jnp.tile(jnp.eye(KER, dtype=f32), (N_ATOMS, 1))
             * nuc_embed.reshape(LN, 1)).astype(bf16)

    wh_t = jnp.tile(Wh[1], (1, N_ELEC)).astype(bf16)
    bh_t = jnp.tile(bh[1], (N_ELEC,)).reshape(1, LE)

    wg_b = Wg.astype(bf16)
    wo_row = Wo.reshape(1, EMBED)
    bo2 = bo.reshape(1, 1)

    grid = (BATCH // B_BLK,)

    def whole(shape):
        nd = len(shape)
        return pl.BlockSpec(shape, lambda i: (0,) * nd)

    out = pl.pallas_call(
        _jastrow_kernel,
        grid=grid,
        in_specs=[
            pl.BlockSpec((B_BLK * N_ELEC, N_NBR * BASIS), lambda i: (i, 0)),
            whole(w_cat.shape),
            whole(b_cat.shape),
            whole(m0h.shape),
            whole(mask.shape),
            whole(diag.shape),
            whole(wh_t.shape),
            whole(bh_t.shape),
            whole(sel_e.shape),
            whole(sel_n.shape),
            whole(wg_b.shape),
            whole(bg.shape),
            whole(wo_row.shape),
            whole(x0.shape),
            whole(bo2.shape),
        ],
        out_specs=pl.BlockSpec((B_BLK, 1), lambda i: (i, 0)),
        out_shape=jax.ShapeDtypeStruct((BATCH, 1), f32),
    )(xs_flat, w_cat, b_cat, m0h, mask, diag, wh_t, bh_t, sel_e, sel_n, wg_b,
      bg, wo_row, x0, bo2)
    return out.reshape(BATCH)

# --- scband reference (transcript-rebuilt; emitter-appended) ---
"""Pipeline reference for scband-jastrow-net-39771397160975 (READ-ONLY COPY).

The authoritative reference and input builder live on the scoring server;
editing this copy changes nothing except your own understanding.
"""

import jax, jax.numpy as jnp
import numpy as np

N_UP = 16
N_DOWN = 16
N_ELEC = N_UP + N_DOWN
N_ATOMS = 16
BASIS = 4
KERNEL = 8
EMBED = 16
LAYERS = 2
BATCH = 4096


def setup_inputs(seed: int = 0) -> dict:
    key = jax.random.key(seed)
    ks = jax.random.split(key, 8)
    xs = jax.random.uniform(ks[0], (BATCH, N_ELEC, N_ELEC + N_ATOMS, BASIS), dtype=jnp.float32)
    def s(k, shape, fan):
        return jax.random.normal(k, shape, dtype=jnp.float32) / np.sqrt(fan)
    return {
        "xs": xs,
        "elec_embed": s(ks[1], (2, EMBED), 1.0),
        "nuc_embed": s(ks[2], (N_ATOMS, KERNEL), 1.0),
        "Ww_e": s(ks[3], (LAYERS, BASIS, KERNEL), BASIS),
        "bw_e": jnp.zeros((LAYERS, KERNEL), jnp.float32),
        "Ww_n": s(ks[4], (LAYERS, BASIS, KERNEL), BASIS),
        "bw_n": jnp.zeros((LAYERS, KERNEL), jnp.float32),
        "Wh": s(ks[5], (LAYERS, EMBED, KERNEL), EMBED),
        "bh": jnp.zeros((LAYERS, KERNEL), jnp.float32),
        "Wg": s(ks[6], (LAYERS, KERNEL, EMBED), KERNEL),
        "bg": jnp.zeros((LAYERS, EMBED), jnp.float32),
        "Wo": s(ks[7], (EMBED, 1), EMBED),
        "bo": jnp.zeros((1,), jnp.float32),
    }


def reference(xs, elec_embed, nuc_embed, Ww_e, bw_e, Ww_n, bw_n, Wh, bh, Wg, bg, Wo, bo):
    b = xs.shape[0]
    # spin-dependent initial electron embeddings
    x0 = jnp.concatenate([
        jnp.tile(elec_embed[0][None, :], (N_UP, 1)),
        jnp.tile(elec_embed[1][None, :], (N_DOWN, 1)),
    ], axis=0)
    x = jnp.broadcast_to(x0[None], (b, N_ELEC, EMBED))
    mask = (1.0 - jnp.eye(N_ELEC, dtype=xs.dtype))[None, :, :, None]
    e_elec = xs[:, :, :N_ELEC, :]
    e_nuc = xs[:, :, N_ELEC:, :]
    for l in range(LAYERS):
        w_e = jnp.tanh(jnp.einsum('bijf,fk->bijk', e_elec, Ww_e[l]) + bw_e[l]) * mask
        w_n = jnp.tanh(jnp.einsum('binf,fk->bink', e_nuc, Ww_n[l]) + bw_n[l])
        h = jnp.tanh(jnp.einsum('bje,ek->bjk', x, Wh[l]) + bh[l])
        z = jnp.einsum('bijk,bjk->bik', w_e, h) + jnp.einsum('bink,nk->bik', w_n, nuc_embed)
        x = x + jnp.tanh(jnp.einsum('bik,ke->bie', z, Wg[l]) + bg[l])
    out = (jnp.einsum('bie,eo->bio', x, Wo) + bo).squeeze(-1).sum(-1)
    return out

if __name__ == "__main__":
    import jax
    _d = setup_inputs()
    print(jax.jit(kernel)(*tuple(_d.values())))

</pallas_src>

<mosaic_0001>
module attributes {stable_mosaic.version = 14 : i64} {
  func.func @_jastrow_kernel(%arg0: i32, %arg1: memref<4096x192xf32, #tpu.memory_space<vmem>>, %arg2: memref<192x768xbf16, #tpu.memory_space<vmem>>, %arg3: memref<1x768xf32, #tpu.memory_space<vmem>>, %arg4: memref<32x256xf32, #tpu.memory_space<vmem>>, %arg5: memref<32x256xf32, #tpu.memory_space<vmem>>, %arg6: memref<32x256xf32, #tpu.memory_space<vmem>>, %arg7: memref<16x256xbf16, #tpu.memory_space<vmem>>, %arg8: memref<1x256xf32, #tpu.memory_space<vmem>>, %arg9: memref<256x8xbf16, #tpu.memory_space<vmem>>, %arg10: memref<128x8xbf16, #tpu.memory_space<vmem>>, %arg11: memref<2x8x16xbf16, #tpu.memory_space<vmem>>, %arg12: memref<2x16xf32, #tpu.memory_space<vmem>>, %arg13: memref<1x16xf32, #tpu.memory_space<vmem>>, %arg14: memref<32x16xf32, #tpu.memory_space<vmem>>, %arg15: memref<1x1xf32, #tpu.memory_space<vmem>>, %arg16: memref<128x1xf32, #tpu.memory_space<vmem>>) attributes {dimension_semantics = [#tpu.dimension_semantics<arbitrary>], iteration_bounds = array<i64: 32>, scalar_prefetch = 0 : i64, scratch_operands = 0 : i64, tpu.core_type = #tpu.core_type<tc>, window_params = [{transform_indices = @transform_0, window_bounds = array<i64: 4096, 192>}, {pipeline_mode = #tpu.pipeline_mode<synchronous>, transform_indices = @transform_1, window_bounds = array<i64: 192, 768>}, {pipeline_mode = #tpu.pipeline_mode<synchronous>, transform_indices = @transform_2, window_bounds = array<i64: 1, 768>}, {pipeline_mode = #tpu.pipeline_mode<synchronous>, transform_indices = @transform_3, window_bounds = array<i64: 32, 256>}, {pipeline_mode = #tpu.pipeline_mode<synchronous>, transform_indices = @transform_4, window_bounds = array<i64: 32, 256>}, {pipeline_mode = #tpu.pipeline_mode<synchronous>, transform_indices = @transform_5, window_bounds = array<i64: 32, 256>}, {pipeline_mode = #tpu.pipeline_mode<synchronous>, transform_indices = @transform_6, window_bounds = array<i64: 16, 256>}, {pipeline_mode = #tpu.pipeline_mode<synchronous>, transform_indices = @transform_7, window_bounds = array<i64: 1, 256>}, {pipeline_mode = #tpu.pipeline_mode<synchronous>, transform_indices = @transform_8, window_bounds = array<i64: 256, 8>}, {pipeline_mode = #tpu.pipeline_mode<synchronous>, transform_indices = @transform_9, window_bounds = array<i64: 128, 8>}, {pipeline_mode = #tpu.pipeline_mode<synchronous>, transform_indices = @transform_10, window_bounds = array<i64: 2, 8, 16>}, {pipeline_mode = #tpu.pipeline_mode<synchronous>, transform_indices = @transform_11, window_bounds = array<i64: 2, 16>}, {pipeline_mode = #tpu.pipeline_mode<synchronous>, transform_indices = @transform_12, window_bounds = array<i64: 1, 16>}, {pipeline_mode = #tpu.pipeline_mode<synchronous>, transform_indices = @transform_13, window_bounds = array<i64: 32, 16>}, {pipeline_mode = #tpu.pipeline_mode<synchronous>, transform_indices = @transform_14, window_bounds = array<i64: 1, 1>}, {transform_indices = @transform_15, window_bounds = array<i64: 128, 1>}]} {
    %get3A = arith.constant 0 : index
    %get3A_0 = arith.constant 0 : index
    %get3A_1 = vector.load %arg1[%get3A, %get3A_0] : memref<4096x192xf32, #tpu.memory_space<vmem>>, vector<4096x192xf32>
    %convert_element_type3A = arith.truncf %get3A_1 : vector<4096x192xf32> to vector<4096x192xbf16>
    %get3A_2 = arith.constant 0 : index
    %get3A_3 = arith.constant 0 : index
    %get3A_4 = vector.load %arg2[%get3A_2, %get3A_3] : memref<192x768xbf16, #tpu.memory_space<vmem>>, vector<192x768xbf16>
    %dot_general3A = arith.constant dense<0.000000e+00> : vector<4096x768xf32>
    %dot_general3A_5 = tpu.matmul %convert_element_type3A, %get3A_4, %dot_general3A {dimension_numbers = #tpu.dot_dimension_numbers<[1], [0], [0], [1], [0, 0, 1, 1], [], []>, transpose_lhs_hint = false} : vector<4096x192xbf16>, vector<192x768xbf16>, vector<4096x768xf32> -> vector<4096x768xf32>
    %get3A_6 = arith.constant 0 : index
    %get3A_7 = arith.constant 0 : index
    %get3A_8 = vector.load %arg3[%get3A_6, %get3A_7] : memref<1x768xf32, #tpu.memory_space<vmem>>, vector<1x768xf32>
    %add3A = vector.broadcast %get3A_8 : vector<1x768xf32> to vector<4096x768xf32>
    %add3A_9 = arith.addf %dot_general3A_5, %add3A : vector<4096x768xf32>
    %tanh3A = math.tanh %add3A_9 : vector<4096x768xf32>
    %slice3A = vector.extract_strided_slice %tanh3A {offsets = [0, 0], sizes = [4096, 256], strides = [1, 1]} : vector<4096x768xf32> to vector<4096x256xf32>
    %slice3A_10 = vector.extract_strided_slice %tanh3A {offsets = [0, 256], sizes = [4096, 128], strides = [1, 1]} : vector<4096x768xf32> to vector<4096x128xf32>
    %slice3A_11 = vector.extract_strided_slice %tanh3A {offsets = [0, 384], sizes = [4096, 256], strides = [1, 1]} : vector<4096x768xf32> to vector<4096x256xf32>
    %slice3A_12 = vector.extract_strided_slice %tanh3A {offsets = [0, 640], sizes = [4096, 128], strides = [1, 1]} : vector<4096x768xf32> to vector<4096x128xf32>
    %get3A_13 = arith.constant 0 : index
    %get3A_14 = arith.constant 0 : index
    %get3A_15 = vector.load %arg9[%get3A_13, %get3A_14] : memref<256x8xbf16, #tpu.memory_space<vmem>>, vector<256x8xbf16>
    %get3A_16 = arith.constant 0 : index
    %get3A_17 = arith.constant 0 : index
    %get3A_18 = vector.load %arg10[%get3A_16, %get3A_17] : memref<128x8xbf16, #tpu.memory_space<vmem>>, vector<128x8xbf16>
    %reshape3A = vector.shape_cast %slice3A : vector<4096x256xf32> to vector<128x32x256xf32>
    %get3A_19 = arith.constant 0 : index
    %get3A_20 = arith.constant 0 : index
    %get3A_21 = vector.load %arg4[%get3A_19, %get3A_20] : memref<32x256xf32, #tpu.memory_space<vmem>>, vector<32x256xf32>
    %broadcast_in_dim3A = vector.shape_cast %get3A_21 : vector<32x256xf32> to vector<1x32x256xf32>
    %mul3A = vector.broadcast %broadcast_in_dim3A : vector<1x32x256xf32> to vector<128x32x256xf32>
    %mul3A_22 = arith.mulf %reshape3A, %mul3A : vector<128x32x256xf32>
    %reshape3A_23 = vector.shape_cast %mul3A_22 : vector<128x32x256xf32> to vector<4096x256xf32>
    %convert_element_type3A_24 = arith.truncf %reshape3A_23 : vector<4096x256xf32> to vector<4096x256xbf16>
    %dot_general3A_25 = arith.constant dense<0.000000e+00> : vector<4096x8xf32>
    %dot_general3A_26 = tpu.matmul %convert_element_type3A_24, %get3A_15, %dot_general3A_25 {dimension_numbers = #tpu.dot_dimension_numbers<[1], [0], [0], [1], [0, 0, 1, 1], [], []>, transpose_lhs_hint = false} : vector<4096x256xbf16>, vector<256x8xbf16>, vector<4096x8xf32> -> vector<4096x8xf32>
    %convert_element_type3A_27 = arith.truncf %slice3A_10 : vector<4096x128xf32> to vector<4096x128xbf16>
    %dot_general3A_28 = arith.constant dense<0.000000e+00> : vector<4096x8xf32>
    %dot_general3A_29 = tpu.matmul %convert_element_type3A_27, %get3A_18, %dot_general3A_28 {dimension_numbers = #tpu.dot_dimension_numbers<[1], [0], [0], [1], [0, 0, 1, 1], [], []>, transpose_lhs_hint = false} : vector<4096x128xbf16>, vector<128x8xbf16>, vector<4096x8xf32> -> vector<4096x8xf32>
    %add3A_30 = arith.addf %dot_general3A_26, %dot_general3A_29 : vector<4096x8xf32>
    %convert_element_type3A_31 = arith.truncf %add3A_30 : vector<4096x8xf32> to vector<4096x8xbf16>
    %get3A_32 = arith.constant 0 : index
    %get3A_33 = arith.constant 0 : index
    %get3A_34 = arith.constant 0 : index
    %get3A_35 = vector.load %arg11[%get3A_32, %get3A_33, %get3A_34] : memref<2x8x16xbf16, #tpu.memory_space<vmem>>, vector<1x8x16xbf16>
    %get3A_36 = vector.shape_cast %get3A_35 : vector<1x8x16xbf16> to vector<8x16xbf16>
    %dot_general3A_37 = arith.constant dense<0.000000e+00> : vector<4096x16xf32>
    %dot_general3A_38 = tpu.matmul %convert_element_type3A_31, %get3A_36, %dot_general3A_37 {dimension_numbers = #tpu.dot_dimension_numbers<[1], [0], [0], [1], [0, 0, 1, 1], [], []>, transpose_lhs_hint = false} : vector<4096x8xbf16>, vector<8x16xbf16>, vector<4096x16xf32> -> vector<4096x16xf32>
    %get3A_39 = arith.constant 0 : index
    %get3A_40 = arith.constant 0 : index
    %get3A_41 = vector.load %arg12[%get3A_39, %get3A_40] : memref<2x16xf32, #tpu.memory_space<vmem>>, vector<1x16xf32>
    %get3A_42 = vector.shape_cast %get3A_41 : vector<1x16xf32> to vector<16xf32>
    %broadcast_in_dim3A_43 = vector.shape_cast %get3A_42 : vector<16xf32> to vector<1x16xf32>
    %add3A_44 = vector.broadcast %broadcast_in_dim3A_43 : vector<1x16xf32> to vector<4096x16xf32>
    %add3A_45 = arith.addf %dot_general3A_38, %add3A_44 : vector<4096x16xf32>
    %tanh3A_46 = math.tanh %add3A_45 : vector<4096x16xf32>
    %get3A_47 = arith.constant 0 : index
    %get3A_48 = arith.constant 0 : index
    %get3A_49 = vector.load %arg14[%get3A_47, %get3A_48] : memref<32x16xf32, #tpu.memory_space<vmem>>, vector<32x16xf32>
    %broadcast_in_dim3A_50 = vector.shape_cast %get3A_49 : vector<32x16xf32> to vector<1x32x16xf32>
    %broadcast_in_dim3A_51 = vector.shape_cast %broadcast_in_dim3A_50 : vector<1x32x16xf32> to vector<1x32x16xf32>
    %broadcast_in_dim3A_52 = vector.broadcast %broadcast_in_dim3A_51 : vector<1x32x16xf32> to vector<128x32x16xf32>
    %reshape3A_53 = vector.shape_cast %broadcast_in_dim3A_52 : vector<128x32x16xf32> to vector<4096x16xf32>
    %add3A_54 = arith.addf %reshape3A_53, %tanh3A_46 : vector<4096x16xf32>
    %convert_element_type3A_55 = arith.truncf %add3A_54 : vector<4096x16xf32> to vector<4096x16xbf16>
    %get3A_56 = arith.constant 0 : index
    %get3A_57 = arith.constant 0 : index
    %get3A_58 = vector.load %arg7[%get3A_56, %get3A_57] : memref<16x256xbf16, #tpu.memory_space<vmem>>, vector<16x256xbf16>
    %dot_general3A_59 = arith.constant dense<0.000000e+00> : vector<4096x256xf32>
    %dot_general3A_60 = tpu.matmul %convert_element_type3A_55, %get3A_58, %dot_general3A_59 {dimension_numbers = #tpu.dot_dimension_numbers<[1], [0], [0], [1], [0, 0, 1, 1], [], []>, transpose_lhs_hint = false} : vector<4096x16xbf16>, vector<16x256xbf16>, vector<4096x256xf32> -> vector<4096x256xf32>
    %get3A_61 = arith.constant 0 : index
    %get3A_62 = arith.constant 0 : index
    %get3A_63 = vector.load %arg8[%get3A_61, %get3A_62] : memref<1x256xf32, #tpu.memory_space<vmem>>, vector<1x256xf32>
    %add3A_64 = vector.broadcast %get3A_63 : vector<1x256xf32> to vector<4096x256xf32>
    %add3A_65 = arith.addf %dot_general3A_60, %add3A_64 : vector<4096x256xf32>
    %reshape3A_66 = vector.shape_cast %add3A_65 : vector<4096x256xf32> to vector<128x32x256xf32>
    %get3A_67 = arith.constant 0 : index
    %get3A_68 = arith.constant 0 : index
    %get3A_69 = vector.load %arg6[%get3A_67, %get3A_68] : memref<32x256xf32, #tpu.memory_space<vmem>>, vector<32x256xf32>
    %broadcast_in_dim3A_70 = vector.shape_cast %get3A_69 : vector<32x256xf32> to vector<1x32x256xf32>
    %mul3A_71 = vector.broadcast %broadcast_in_dim3A_70 : vector<1x32x256xf32> to vector<128x32x256xf32>
    %mul3A_72 = arith.mulf %reshape3A_66, %mul3A_71 : vector<128x32x256xf32>
    %reduce_sum3A = arith.constant dense<0.000000e+00> : vector<128x256xf32>
    %reduce_sum3A_73 = vector.multi_reduction <add>, %mul3A_72, %reduce_sum3A [1] : vector<128x32x256xf32> to vector<128x256xf32>
    %tanh3A_74 = math.tanh %reduce_sum3A_73 : vector<128x256xf32>
    %reshape3A_75 = vector.shape_cast %slice3A_11 : vector<4096x256xf32> to vector<128x32x256xf32>
    %get3A_76 = arith.constant 0 : index
    %get3A_77 = arith.constant 0 : index
    %get3A_78 = vector.load %arg5[%get3A_76, %get3A_77] : memref<32x256xf32, #tpu.memory_space<vmem>>, vector<32x256xf32>
    %broadcast_in_dim3A_79 = vector.shape_cast %get3A_78 : vector<32x256xf32> to vector<1x32x256xf32>
    %mul3A_80 = vector.broadcast %broadcast_in_dim3A_79 : vector<1x32x256xf32> to vector<128x32x256xf32>
    %mul3A_81 = arith.mulf %reshape3A_75, %mul3A_80 : vector<128x32x256xf32>
    %broadcast_in_dim3A_82 = vector.shape_cast %tanh3A_74 : vector<128x256xf32> to vector<128x1x256xf32>
    %mul3A_83 = vector.broadcast %broadcast_in_dim3A_82 : vector<128x1x256xf32> to vector<128x32x256xf32>
    %mul3A_84 = arith.mulf %mul3A_81, %mul3A_83 : vector<128x32x256xf32>
    %reshape3A_85 = vector.shape_cast %mul3A_84 : vector<128x32x256xf32> to vector<4096x256xf32>
    %convert_element_type3A_86 = arith.truncf %reshape3A_85 : vector<4096x256xf32> to vector<4096x256xbf16>
    %dot_general3A_87 = arith.constant dense<0.000000e+00> : vector<4096x8xf32>
    %dot_general3A_88 = tpu.matmul %convert_element_type3A_86, %get3A_15, %dot_general3A_87 {dimension_numbers = #tpu.dot_dimension_numbers<[1], [0], [0], [1], [0, 0, 1, 1], [], []>, transpose_lhs_hint = false} : vector<4096x256xbf16>, vector<256x8xbf16>, vector<4096x8xf32> -> vector<4096x8xf32>
    %convert_element_type3A_89 = arith.truncf %slice3A_12 : vector<4096x128xf32> to vector<4096x128xbf16>
    %dot_general3A_90 = arith.constant dense<0.000000e+00> : vector<4096x8xf32>
    %dot_general3A_91 = tpu.matmul %convert_element_type3A_89, %get3A_18, %dot_general3A_90 {dimension_numbers = #tpu.dot_dimension_numbers<[1], [0], [0], [1], [0, 0, 1, 1], [], []>, transpose_lhs_hint = false} : vector<4096x128xbf16>, vector<128x8xbf16>, vector<4096x8xf32> -> vector<4096x8xf32>
    %add3A_92 = arith.addf %dot_general3A_88, %dot_general3A_91 : vector<4096x8xf32>
    %convert_element_type3A_93 = arith.truncf %add3A_92 : vector<4096x8xf32> to vector<4096x8xbf16>
    %get3A_94 = arith.constant 1 : index
    %get3A_95 = arith.constant 0 : index
    %get3A_96 = arith.constant 0 : index
    %get3A_97 = vector.load %arg11[%get3A_94, %get3A_95, %get3A_96] : memref<2x8x16xbf16, #tpu.memory_space<vmem>>, vector<1x8x16xbf16>
    %get3A_98 = vector.shape_cast %get3A_97 : vector<1x8x16xbf16> to vector<8x16xbf16>
    %dot_general3A_99 = arith.constant dense<0.000000e+00> : vector<4096x16xf32>
    %dot_general3A_100 = tpu.matmul %convert_element_type3A_93, %get3A_98, %dot_general3A_99 {dimension_numbers = #tpu.dot_dimension_numbers<[1], [0], [0], [1], [0, 0, 1, 1], [], []>, transpose_lhs_hint = false} : vector<4096x8xbf16>, vector<8x16xbf16>, vector<4096x16xf32> -> vector<4096x16xf32>
    %get3A_101 = arith.constant 1 : index
    %get3A_102 = arith.constant 0 : index
    %get3A_103 = vector.load %arg12[%get3A_101, %get3A_102] : memref<2x16xf32, #tpu.memory_space<vmem>>, vector<1x16xf32>
    %get3A_104 = vector.shape_cast %get3A_103 : vector<1x16xf32> to vector<16xf32>
    %broadcast_in_dim3A_105 = vector.shape_cast %get3A_104 : vector<16xf32> to vector<1x16xf32>
    %add3A_106 = vector.broadcast %broadcast_in_dim3A_105 : vector<1x16xf32> to vector<4096x16xf32>
    %add3A_107 = arith.addf %dot_general3A_100, %add3A_106 : vector<4096x16xf32>
    %tanh3A_108 = math.tanh %add3A_107 : vector<4096x16xf32>
    %add3A_109 = arith.addf %add3A_54, %tanh3A_108 : vector<4096x16xf32>
    %get3A_110 = arith.constant 0 : index
    %get3A_111 = arith.constant 0 : index
    %get3A_112 = vector.load %arg13[%get3A_110, %get3A_111] : memref<1x16xf32, #tpu.memory_space<vmem>>, vector<1x16xf32>
    %mul3A_113 = vector.broadcast %get3A_112 : vector<1x16xf32> to vector<4096x16xf32>
    %mul3A_114 = arith.mulf %add3A_109, %mul3A_113 : vector<4096x16xf32>
    %reduce_sum3A_115 = arith.constant dense<0.000000e+00> : vector<4096xf32>
    %reduce_sum3A_116 = vector.multi_reduction <add>, %mul3A_114, %reduce_sum3A_115 [1] : vector<4096x16xf32> to vector<4096xf32>
    %broadcast_in_dim3A_117 = vector.shape_cast %reduce_sum3A_116 : vector<4096xf32> to vector<4096x1xf32>
    %reshape3A_118 = vector.shape_cast %broadcast_in_dim3A_117 : vector<4096x1xf32> to vector<128x32x1xf32>
    %reduce_sum3A_119 = arith.constant dense<0.000000e+00> : vector<128x1xf32>
    %reduce_sum3A_120 = vector.multi_reduction <add>, %reshape3A_118, %reduce_sum3A_119 [1] : vector<128x32x1xf32> to vector<128x1xf32>
    %get3A_121 = arith.constant 0 : index
    %get3A_122 = arith.constant 0 : index
    %get3A_123 = vector.load %arg15[%get3A_121, %get3A_122] : memref<1x1xf32, #tpu.memory_space<vmem>>, vector<1x1xf32>
    %get3A_124 = vector.extract %get3A_123[0, 0] : f32 from vector<1x1xf32>
    %mul3A_125 = arith.constant 3.200000e+01 : f32
    %mul3A_126 = arith.mulf %mul3A_125, %get3A_124 : f32
    %add3A_127 = vector.broadcast %mul3A_126 : f32 to vector<128x1xf32>
    %add3A_128 = arith.addf %reduce_sum3A_120, %add3A_127 : vector<128x1xf32>
    %swap3A = arith.constant 0 : index
    %swap3A_129 = arith.constant 0 : index
    %swap3A_130 = vector.load %arg16[%swap3A, %swap3A_129] : memref<128x1xf32, #tpu.memory_space<vmem>>, vector<128x1xf32>
    tpu.vector_store %arg16[%swap3A, %swap3A_129], %add3A_128 {strides = array<i32>} : memref<128x1xf32, #tpu.memory_space<vmem>>, vector<128x1xf32>,
    return
  }
  func.func @transform_0(%arg0: i32) -> (i32, i32) {
    %c0_i32 = arith.constant 0 : i32
    %c0_i32_0 = arith.constant 0 : i32
    return %arg0, %c0_i32 : i32, i32
  }
  func.func @transform_1(%arg0: i32) -> (i32, i32) {
    %c0_i32 = arith.constant 0 : i32
    %c0_i32_0 = arith.constant 0 : i32
    %c0_i32_1 = arith.constant 0 : i32
    return %c0_i32, %c0_i32_0 : i32, i32
  }
  func.func @transform_2(%arg0: i32) -> (i32, i32) {
    %c0_i32 = arith.constant 0 : i32
    %c0_i32_0 = arith.constant 0 : i32
    %c0_i32_1 = arith.constant 0 : i32
    return %c0_i32, %c0_i32_0 : i32, i32
  }
  func.func @transform_3(%arg0: i32) -> (i32, i32) {
    %c0_i32 = arith.constant 0 : i32
    %c0_i32_0 = arith.constant 0 : i32
    %c0_i32_1 = arith.constant 0 : i32
    return %c0_i32, %c0_i32_0 : i32, i32
  }
  func.func @transform_4(%arg0: i32) -> (i32, i32) {
    %c0_i32 = arith.constant 0 : i32
    %c0_i32_0 = arith.constant 0 : i32
    %c0_i32_1 = arith.constant 0 : i32
    return %c0_i32, %c0_i32_0 : i32, i32
  }
  func.func @transform_5(%arg0: i32) -> (i32, i32) {
    %c0_i32 = arith.constant 0 : i32
    %c0_i32_0 = arith.constant 0 : i32
    %c0_i32_1 = arith.constant 0 : i32
    return %c0_i32, %c0_i32_0 : i32, i32
  }
  func.func @transform_6(%arg0: i32) -> (i32, i32) {
    %c0_i32 = arith.constant 0 : i32
    %c0_i32_0 = arith.constant 0 : i32
    %c0_i32_1 = arith.constant 0 : i32
    return %c0_i32, %c0_i32_0 : i32, i32
  }
  func.func @transform_7(%arg0: i32) -> (i32, i32) {
    %c0_i32 = arith.constant 0 : i32
    %c0_i32_0 = arith.constant 0 : i32
    %c0_i32_1 = arith.constant 0 : i32
    return %c0_i32, %c0_i32_0 : i32, i32
  }
  func.func @transform_8(%arg0: i32) -> (i32, i32) {
    %c0_i32 = arith.constant 0 : i32
    %c0_i32_0 = arith.constant 0 : i32
    %c0_i32_1 = arith.constant 0 : i32
    return %c0_i32, %c0_i32_0 : i32, i32
  }
  func.func @transform_9(%arg0: i32) -> (i32, i32) {
    %c0_i32 = arith.constant 0 : i32
    %c0_i32_0 = arith.constant 0 : i32
    %c0_i32_1 = arith.constant 0 : i32
    return %c0_i32, %c0_i32_0 : i32, i32
  }
  func.func @transform_10(%arg0: i32) -> (i32, i32, i32) {
    %c0_i32 = arith.constant 0 : i32
    %c0_i32_0 = arith.constant 0 : i32
    %c0_i32_1 = arith.constant 0 : i32
    %c0_i32_2 = arith.constant 0 : i32
    return %c0_i32, %c0_i32_0, %c0_i32_1 : i32, i32, i32
  }
  func.func @transform_11(%arg0: i32) -> (i32, i32) {
    %c0_i32 = arith.constant 0 : i32
    %c0_i32_0 = arith.constant 0 : i32
    %c0_i32_1 = arith.constant 0 : i32
    return %c0_i32, %c0_i32_0 : i32, i32
  }
  func.func @transform_12(%arg0: i32) -> (i32, i32) {
    %c0_i32 = arith.constant 0 : i32
    %c0_i32_0 = arith.constant 0 : i32
    %c0_i32_1 = arith.constant 0 : i32
    return %c0_i32, %c0_i32_0 : i32, i32
  }
  func.func @transform_13(%arg0: i32) -> (i32, i32) {
    %c0_i32 = arith.constant 0 : i32
    %c0_i32_0 = arith.constant 0 : i32
    %c0_i32_1 = arith.constant 0 : i32
    return %c0_i32, %c0_i32_0 : i32, i32
  }
  func.func @transform_14(%arg0: i32) -> (i32, i32) {
    %c0_i32 = arith.constant 0 : i32
    %c0_i32_0 = arith.constant 0 : i32
    %c0_i32_1 = arith.constant 0 : i32
    return %c0_i32, %c0_i32_0 : i32, i32
  }
  func.func @transform_15(%arg0: i32) -> (i32, i32) {
    %c0_i32 = arith.constant 0 : i32
    %c0_i32_0 = arith.constant 0 : i32
    return %arg0, %c0_i32 : i32, i32
  }
}

</mosaic_0001>

<sc_bundles>
// kernel: sparse-core-data-format-call.cloned.1.call-start
scs
called_computation_lowered:
.L_overlay_start_0:
0x0: {  	s1 =	sld [smem:$0x3FD9]  }
0x1: {  	s2 =	sld [smem:$0x3FFE];
	_ =	sdelay $0x1  }
0x2: {  	s3 =	srdreg.scid  }
0x3: {  	s0 =	sand.u32 $0x1, s3  }
0x4: {  	s17 =	sshll.u32 s0, $0xA;
	s1 =	sadd.s32 s2, s1  }
0x5: {  	s1 =	sadd.s32 s1, s17  }
0x6: {  	[smem:$0x3FBB] =	sst s1  }
0x7: {  	_ = 	snop  }
0x8: {  	(tm) =	ssettm $0x1  }
0x9: {  	s18 =	sld [smem:$0x3FFB];
	_ =	sdelay $0x3  }
0xa: {  	_ =	strace s18  }
0xb: {  	s1 =	sld [smem:$0x3FFC];
	_ =	sdelay $0x3  }
0xc: {  	_ =	strace s1  }
0xd: {  	s1 =	sld [smem:$0x3FFD];
	_ =	sdelay $0x3  }
0xe: {  	_ =	strace s1  }
0xf: {  	_ =	strace $0x8FFFFFFF  }
0x10: {  	s19 =	sld [smem:$0x3FDB];
	_ =	sdelay $0x1  }
0x11: {  	s20 =	simm.s32 $_scs_section_size  }
0x12: {  	s4 =	simm.s32 $_size__tile_overlayer_lowered;
	s5 =	simm.s32 $_tile_overlayer_lowered  }
0x13: {  	s23 =	simm.s32 $0x1BFF;
	s22 =	sshll.u32 s5, $0x1;
	s1 =	sadd.s32 s20, s19  }
0x14: {  	s6 =	simm.s32 $0x0;
	s21 =	sshll.u32 s4, $0x1;
	s4 =	sadd.s32 s22, s1  }
0x15: {  	[timem:s6], [sflag:s23] =	dma.local [hbm:s4], s21  }
0x16: {  	_ =	swait.ge [sflag:s23], s21  }
0x17: {  	s2 =	ssub.s32 $0x0, s21;
	[sflag:s23] =	ssyncset.done $0x0  }
0x18: {  	[sflag:s23] =	ssyncadd.s32 s2;
	_ =	sdelay $0x1  }
0x19: {  	s24 =	simm.s32 $0x1B8B  }
0x1a: {  	_ =	swait.ge [sflag:s24], $0x1  }
0x1b: {  	[sflag:s24] =	ssyncset.done $0x0  }
0x1c: {  	s26 =	simm.s32 $0x1B8E;
	s25 =	sld [smem:$0x3FFE];
	[sflag:s24] =	ssyncadd.s32 $0xFFFFFFFF  }
0x1d: {  	s27 =	simm.s32 $execute0_lowered;
	[smem:$0x3FD2] =	sst s26  }
0x1e: {  	s4 =	sshll.u32 s27, $0x1;
	_ =	strace $0x80000046;
	[dreg:$0x1] =	wrdreg $0xFFFFFFFF  }
0x1f: {  	s28 =	simm.s32 $_size_execute0_lowered;
	s1 =	sadd.s32 s1, s4;
	[dreg:$0x0] =	wrdreg $0x0  }
0x20: {  	s4 =	sshll.u32 s28, $0x1;
	[dreg:$0x2] =	wrdreg s1  }
0x21: {  	[dreg:$0x3] =	wrdreg s4  }
0x22: {  	[dreg:$0x4] =	wrdreg $0xC0  }
0x23: {  	_ =	task [dreg:s6], $0x5FFFF  }
0x24: {  	[dreg:$0x1] =	wrdreg $0xFFFFFFFF  }
0x25: {  	[dreg:$0x0] =	wrdreg $0x60  }
0x26: {  	[dreg:$0x2] =	wrdreg s25  }
0x27: {  	[dreg:$0x3] =	wrdreg $0x9  }
0x28: {  	_ =	task.clear_ibuf [dreg:s6], $0x4FFFF;
	_ =	strace $0x90000046  }
0x29: {  	s29 =	simm.s32 $0x9;
	_ =	strace $0x80000048  }
0x2a: {  	_ =	swait.ge [sflag:s29], $0x1  }
0x2b: {  	[sflag:s29] =	ssyncadd.s32 $0xFFFFFFFF  }
0x2c: {  	_ =	strace $0x90000048  }
0x2d: {  	_ =	sfence  }
0x2e: {  	s30 =	sld [smem:$0x0];
	_ =	sdelay $0x2  }
0x2f: {  	s31 =	sshll.u32 s3, $0xD;
	s3 =	sshrl.u32 s3, $0x2  }
0x30: {  	s2 =	sand.u32 $0x4000, s31;
	s1 =	sadd.s32 s3, s30  }
0x31: {  	s0 =	sor.u32 s2, s0;
	s1 =	sshll.u32 s1, $0x11  }
0x32: {  	s0 =	sor.u32 s1, s0  }
0x33: {  	s0 =	sadd.s32 $0x8F2B, s0  }
0x34: {  	[sflag:s0] =	ssyncadd.remote.s32 $0x1  }
0x35: {  	_ =	sfence.sel $0xFFFF  }
0x36: {  	[dreg:$0x0] =	wrdreg $0xFFFFFFFF;
	(pc) =	sbr.abs _section_cstart, $3  }
0x37: {  	[dreg:$0x1] =	wrdreg $0xFFFFFFFF  }
0x38: {  	_ =	task.clear_ibuf [dreg:s6], $0x2FFFF;
	_ =	strace $0x9FFFFFFF  }
0x39: {  	(tm) =	ssettm $0x7FFFFFFF  }
tec
execute0_lowered:
.L_overlay_start_1:
0x0: {  	(tag) =	ssettag $0x1  }
0x1: {  	s0 =	srdreg.scid  }
0x2: {  	s9 =	rddreg [dreg:$0x0];
	s1 =	stileid.u32  }
0x3: {  	s10 =	simm.s32 $0x2;
	s17 =	simm.s32 $0x0;
	s11 =	simm.s32 $0x80  }
0x4: {  	s16 =	simm.s32 $0x0;
	s15 =	simm.s32 $0x0;
	s0 =	sshll.u32 s0, $0x4  }
0x5: {  	s12 =	simm.s32 $0x0;
	s13 =	simm.s32 $0x0;
	s2 =	sand.u32 $0x10, s0  }
0x6: {  	s14 =	simm.s32 $0x0;
	s3 =	sshll.u32 s1, $0x6;
	s5 =	sor.u32 s1, s2  }
0x7: {  	s4 =	sadd.s32 $0x303000, s9;
	s0 =	rddreg [dreg:$0x1];
	s2 =	sshll.u32 s5, $0x7  }
0x8: {  	_ =	strace $0x80000047;
	s3 =	sand.u32 $0x1C0, s3;
	s7 =	ssub.s32 $0x1000, s2  }
0x9: {  	s6 =	sadd.s32 s3, s9;
	s3 =	simm.s32 $0x1;
	s8 =	sand.u32 $0xF80, s7  }
0xa: {  	s5 =	sshll.u32 s5, $0x6;
	p0 =	sne.s32 s8, $0x0;
	s8 =	simm.s32 $0x1  }
.Ltmp0:
0xb: {  	s7 =	sshrl.u32 s7, $0xC;
	s8 =	simm.s32 @!p0 $0x0;
	(pc) =	sbr.rel .LBB1_1-.Ltmp0, $4  }
0xc: {  	[sflag:s3] =	ssyncpa.u1 $0x0;
	s5 =	sand.u32 $0x600, s5;
	s7 =	sadd.s32 s8, s7  }
0xd: {  	[sflag:s10] =	ssyncpa.u1 $0x0;
	s6 =	sadd.s32 s5, s6;
	s5 =	smul.u32 $0x30, s7  }
0xe: {  	s6 =	sadd.s32 $0x3000, s6;
	p0 =	por $0x0, $0x0;
	s8 =	sadd.s32 $0x323000, s9  }
0xf: {  	s7 =	sadd.s32 $0x313000, s9;
	s9 =	sadd.s32 $0x333000, s9;
	s10 =	sor.u32 $0x1, s5  }
.LBB1_7:
0x10: {  	s18 =	sadd.s32 $0x1, s12  }
0x11: {  	s15 =	sadd.s32 $0x20, s13;
	s19 =	smov.u32 s13;
	p2 =	sgt.s32 s18, $0x2F  }
0x12: {  	s19 =	smov.u32 @p2 s15  }
0x13: {  	s18 =	simm.s32 @p2 $0x0;
	p2 =	sgt.s32 s19, $0x1F  }
0x14: {  	s19 =	simm.s32 @p2 $0x0;
	p2 =	sne.s32 s14, s10  }
.Ltmp1:
0x15: {  	p1 =	slt.u32 s14, $0x2;
	(pc) =	sbr.rel @!p2 .LBB1_8-.Ltmp1, $4  }
0x16: {  	s16 =	smov.u32 s12;
	s17 =	simm.s32 @!p1 $0x2  }
0x17: {  	p0 =	por !p0, !p0;
	_ =	swait.ge @!p1 [sflag:s17], $0x4000;
	s15 =	smov.u32 s13  }
0x18: {  	[sflag:s17] =	ssyncset.done @!p1 $0x0;
	s12 =	smov.u32 s18;
	s14 =	sadd.s32 $0x1, s14  }
0x19: {  	[sflag:s17] =	ssyncadd.s32 @!p1 $0xFFFFC000;
	s17 =	smov.u32 s2;
	s13 =	smov.u32 s19  }
.LBB1_1:
0x1a: {  	p1 =	sge.u32 s14, s5  }
0x1b: {  	s19 =	smul.u32 @!p1 $0x18000, s13  }
0x1c: {  	s31 =	sadd.s32 $0xFFFFFFFF, s14;
	s18 =	sxor.u32 @!p1 $0xFFFFFFFF, s14;
	s20 =	sshll.u32 @!p1 s12, $0xB  }
0x1d: {  	s21 =	simm.s32 @!p1 $0xC0000;
	s18 =	sshll.u32 @!p1 s18, $0xE;
	s19 =	sadd.s32 @!p1 s19, s6  }
0x1e: {  	s18 =	sand.u32 @!p1 $0x4000, s18;
	s19 =	sadd.s32 @!p1 s20, s19;
	s20 =	simm.s32 @!p1 $0x200  }
0x1f: {  	[tilespmem:s18], [sflag:$0x1] =	stream.strided.gather @!p1 [hbm4b:s19+s20], $0x4000, s21, s20, $0x38;
	[tilespmem:$0x10400] =	vst v63  }
0x20: {  	p1 =	sge.u32 s31, s5  }
.Ltmp2:
0x21: {  	_ = 	snop;
	(pc) =	sbr.rel @p1 .LBB1_7-.Ltmp2, $1  }
0x22: {  	_ =	sdelay $0x3  }
0x23: {  	s18 =	simm.s32 $0x1;
	s20 =	sand.u32 $0x1, s14  }
0x24: {  	_ =	swait.ge [sflag:s3], $0x4000;
	s18 =	simm.s32 @!p0 $0x0;
	s22 =	smul.u32 $0x10800, s20  }
0x25: {  	[sflag:s3] =	ssyncset.done $0x0;
	s19 =	smul.u32 $0x10800, s18  }
0x26: {  	s18 =	sshll.u32 s18, $0xE;
	[sflag:s3] =	ssyncadd.s32 $0xFFFFC000  }
0x27: {  	s21 =	sor.u32 $0x40, s18;
	s18 =	sshrl.u32 s22, $0x2;
	s19 =	sshrl.u32 s19, $0x2  }
0x28: {  	s22 =	simm.s32 $0x0;
	s20 =	sor.u32 $0x8000, s19;
	s19 =	sor.u32 $0x8000, s18  }
.LBB1_3:
0x29: {  	v0 =	vld [tilespmem:s21+$0x30]  }
0x2a: {  	v1 =	vld [tilespmem:s21+$0xFFFFFFD0]  }
0x2b: {  	v5 =	vld [tilespmem:s21+$0xFFFFFFE0]  }
0x2c: {  	v6 =	vld [tilespmem:s21+$0xFFFFFFF0]  }
0x2d: {  	s23 =	sadd.s32 $0x0, s20;
	v2 =	vld [tilespmem:s21+$0x0]  }
0x2e: {  	v3 =	vld [tilespmem:s21+$0x10];
	[tilespmem:s23+$0xE70 ss:$0x21] =	vst.msk $0xffff, v0  }
0x2f: {  	v4 =	vld [tilespmem:s21+$0x20];
	[tilespmem:s23+$0x210 ss:$0x21] =	vst.msk $0xffff, v1  }
0x30: {  	s24 =	sadd.s32 $0x80, s21;
	v0 =	vld [tilespmem:s21+$0xFFFFFFC0];
	[tilespmem:s23+$0x420 ss:$0x21] =	vst.msk $0xffff, v5  }
0x31: {  	s25 =	simm.s32 $0x4200;
	s26 =	simm.s32 $0x8400;
	v1 =	vld [tilespmem:s24+$0x30];
	[tilespmem:s23+$0x630 ss:$0x21] =	vst.msk $0xffff, v6  }
.LBB1_4:
0x32: {  	p1 =	sne.s32 s26, $0xC600;
	v5 =	vld [tilespmem:s24+$0xFFFFFFD0];
	[tilespmem:s23+$0x840 ss:$0x21] =	vst.msk $0xffff, v2  }
0x33: {  	v6 =	vld [tilespmem:s24+$0xFFFFFFE0];
	[tilespmem:s23+$0xA50 ss:$0x21] =	vst.msk $0xffff, v3  }
0x34: {  	s27 =	sshra.s32 s25, $0x2;
	s25 =	smov.u32 s26;
	v7 =	vld [tilespmem:s24+$0xFFFFFFF0];
	[tilespmem:s23+$0xC60 ss:$0x21] =	vst.msk $0xffff, v4  }
.Ltmp3:
0x35: {  	v2 =	vld [tilespmem:s24+$0x0];
	[tilespmem:s23+$0x0 ss:$0x21] =	vst.msk $0xffff, v0;
	s23 =	sadd.s32 s27, s20;
	(pc) =	sbr.rel @p1 .LBB1_4-.Ltmp3, $4  }
0x36: {  	v3 =	vld [tilespmem:s24+$0x10];
	[tilespmem:s23+$0xE70 ss:$0x21] =	vst.msk $0xffff, v1  }
0x37: {  	[tilespmem:s23+$0x210 ss:$0x21] =	vst.msk $0xffff, v5;
	v4 =	vld [tilespmem:s24+$0x20]  }
0x38: {  	v0 =	vld [tilespmem:s24+$0xFFFFFFC0];
	[tilespmem:s23+$0x420 ss:$0x21] =	vst.msk $0xffff, v6;
	s24 =	sadd.s32 $0x80, s24  }
0x39: {  	s26 =	sadd.s32 $0x4200, s26;
	v1 =	vld [tilespmem:s24+$0x30];
	[tilespmem:s23+$0x630 ss:$0x21] =	vst.msk $0xffff, v7  }
0x3a: {  	v5 =	vld [tilespmem:s24+$0xFFFFFFD0];
	[tilespmem:s23+$0x840 ss:$0x21] =	vst.msk $0xffff, v2  }
0x3b: {  	v58 =	vld [tilespmem:s24+$0xFFFFFFE0];
	[tilespmem:s23+$0xA50 ss:$0x21] =	vst.msk $0xffff, v3  }
0x3c: {  	s25 =	sshra.s32 s25, $0x2;
	v59 =	vld [tilespmem:s24+$0xFFFFFFF0];
	[tilespmem:s23+$0xC60 ss:$0x21] =	vst.msk $0xffff, v4  }
0x3d: {  	v60 =	vld [tilespmem:s24+$0x0];
	s25 =	sadd.s32 s25, s20;
	[tilespmem:s23+$0x0 ss:$0x21] =	vst.msk $0xffff, v0  }
0x3e: {  	v61 =	vld [tilespmem:s24+$0x10];
	[tilespmem:s25+$0xE70 ss:$0x21] =	vst.msk $0xffff, v1  }
0x3f: {  	v62 =	vld [tilespmem:s24+$0x20];
	s22 =	sadd.s32 $0x1, s22;
	[tilespmem:s25+$0x210 ss:$0x21] =	vst.msk $0xffff, v5  }
0x40: {  	v63 =	vld [tilespmem:s24+$0xFFFFFFC0];
	p1 =	sne.s32 s22, $0x20;
	[tilespmem:s25+$0x420 ss:$0x21] =	vst.msk $0xffff, v58  }
.Ltmp4:
0x41: {  	[tilespmem:s25+$0x630 ss:$0x21] =	vst.msk $0xffff, v59;
	(pc) =	sbr.rel @p1 .LBB1_3-.Ltmp4, $4  }
0x42: {  	[tilespmem:s25+$0x840 ss:$0x21] =	vst.msk $0xffff, v60  }
0x43: {  	[tilespmem:s25+$0xA50 ss:$0x21] =	vst.msk $0xffff, v61  }
0x44: {  	[tilespmem:s25+$0xC60 ss:$0x21] =	vst.msk $0xffff, v62  }
0x45: {  	s21 =	sadd.s32 $0x200, s21;
	s20 =	sadd.s32 $0x1, s20;
	[tilespmem:s25+$0x0 ss:$0x21] =	vst.msk $0xffff, v63  }
0x46: {  	s17 =	sshll.u32 s17, $0x7;
	s20 =	sshll.u32 s15, $0x3  }
0x47: {  	s17 =	sand.u32 $0x7C000, s17;
	s20 =	sand.u32 $0x7FC00, s20  }
0x48: {  	s17 =	sadd.s32 s20, s17  }
0x49: {  	s17 =	sshrl.u32 s17, $0x3  }
0x4a: {  	s16 =	sshll.u32 s16, $0x12;
	s24 =	sshrl.u32 s15, $0x3;
	s17 =	sand.u32 $0xFF80, s17  }
0x4b: {  	s26 =	sand.u32 $0x7, s15;
	s25 =	sand.u32 $0xF, s24;
	s16 =	sor.u32 s16, s17  }
0x4c: {  	s15 =	sshll.u32 s26, $0x12;
	s16 =	sor.u32 s25, s16  }
0x4d: {  	s15 =	sor.u32 $0x20, s15;
	s17 =	sadd.s32 s4, s16  }
0x4e: {  	[hbm4b:s17+s15] =	stream.strided.scatter [tilespmem:s19], [sflag:$0x2], $0x1000, s11, s15, $0x10;
	[tilespmem:$0x10400] =	vst v63  }
0x4f: {  	s27 =	sadd.s32 $0x9080, s18;
	s28 =	sadd.s32 s16, s7  }
0x50: {  	[hbm4b:s28+s15] =	stream.strided.scatter [tilespmem:s27], [sflag:$0x2], $0x1000, s11, s15, $0x10;
	[tilespmem:$0x10400] =	vst v63  }
.Ltmp5:
0x51: {  	_ = 	snop;
	(pc) =	sbr.rel .LBB1_7-.Ltmp5, $4  }
0x52: {  	s29 =	sadd.s32 $0xA100, s18;
	s30 =	sadd.s32 s16, s8  }
0x53: {  	[hbm4b:s30+s15] =	stream.strided.scatter [tilespmem:s29], [sflag:$0x2], $0x1000, s11, s15, $0x10;
	[tilespmem:$0x10400] =	vst v63  }
0x54: {  	s31 =	sadd.s32 $0xB180, s18;
	s16 =	sadd.s32 s16, s9  }
0x55: {  	[hbm4b:s16+s15] =	stream.strided.scatter [tilespmem:s31], [sflag:$0x2], $0x1000, s11, s15, $0x10;
	[tilespmem:$0x10400] =	vst v63  }
.LBB1_8:
0x56: {  	_ =	sfence.sel $0x180000  }
0x57: {  	s2 =	simm.s32 $0x1;
	[bflag:$0x0] =	sbarrier.arrive $0xFFFF  }
0x58: {  	s31 =	simm.s32 $0x2;
	[sflag:s2] =	ssyncpa.u1 $0x1  }
0x59: {  	[sflag:s31] =	ssyncpa.u1 $0x1  }
0x5a: {  	p0 =	sne.s32 s1, $0x0;
	_ =	strace $0x90000047  }
0x5b: {  	s0 =	sadd.s32 @!p0 $0x100000, s0;
	[bflag:$0x2] =	sbarrier.arrive $0xFFFF  }
0x5c: {  	[sflag:s0] =	ssyncadd.tile.s32 @!p0 $0x1;
	_ =	shalt  }
.Lfunc_end1:
_tile_overlayer_lowered:
.L_overlay_start_2:
0x5d: {  	(tag) =	ssettag $0x2  }
0x5e: {  	s0 =	rddreg [dreg:$0x0];
	s2 =	stileid.u32  }
0x5f: {  	s1 =	rddreg [dreg:$0x1];
	p0 =	sne.s32 s2, $0x0  }
0x60: {  	s3 =	rddreg [dreg:$0x2];
	[bflag:$0x3] =	sbarrier.arrive $0xFFFF;
	s2 =	simm.s32 @!p0 $0x1C01  }
0x61: {  	[timem:s3], [sflag:s2] =	dma.local @!p0 [hbm:s0], s1  }
0x62: {  	s0 =	simm.s32 @!p0 $0x1  }
0x63: {  	_ =	swait.ge @!p0 [sflag:s0], s1  }
0x64: {  	s1 =	ssub.s32 @!p0 $0x0, s1;
	[sflag:s0] =	ssyncset.done @!p0 $0x0  }
0x65: {  	[sflag:s0] =	ssyncadd.s32 @!p0 s1  }
0x66: {  	[bflag:$0x3] =	sbarrier.arrive $0xFFFF  }
0x67: {  	_ =	shalt  }

</sc_bundles>
